<compile_context>
chip_gen: v7x
topology: tpu7x:2x2x1
jax: 0.10.2.dev20260603
libtpu: 0.0.44.dev20260713+nightly
codegen_flags: <defaults>
</compile_context>

<pallas_src>
import jax
import jax.numpy as jnp
from jax import lax
from jax.experimental import pallas as pl
from jax.experimental.pallas import tpu as pltpu
from jax.experimental.pallas import tpu_sc as plsc

N_FIELDS = 26
VOCAB = 100000
EMB_DIM = 16
BATCH = 16384

NC, NS = 2, 16
NW = NC * NS
B_PER_W = BATCH // NW
PAIRS = N_FIELDS // 2


def _body(xt, W, out, idx_v, rows_a, rows_b, sem_a, sem_b):
    wid = lax.axis_index("s") * NC + lax.axis_index("c")
    b0 = wid * B_PER_W

    pltpu.sync_copy(xt.at[:, pl.ds(b0, B_PER_W)], idx_v)

    def gather(f, rows, sem):
        pltpu.make_async_copy(W.at[f].at[idx_v.at[f]], rows, sem).start()

    def drain(f, rows, sem):
        pltpu.make_async_copy(W.at[f].at[idx_v.at[f]], rows, sem).wait()

    gather(0, rows_a, sem_a)

    def per_pair(g, carry):
        f0 = 2 * g
        gather(f0 + 1, rows_b, sem_b)
        drain(f0, rows_a, sem_a)
        pltpu.sync_copy(rows_a, out.at[f0, pl.ds(b0, B_PER_W)])

        @pl.when(g < PAIRS - 1)
        def _():
            gather(f0 + 2, rows_a, sem_a)

        drain(f0 + 1, rows_b, sem_b)
        pltpu.sync_copy(rows_b, out.at[f0 + 1, pl.ds(b0, B_PER_W)])
        return carry

    lax.fori_loop(0, PAIRS, per_pair, 0)


def kernel(x_cat, W):
    xt = x_cat.T
    k = pl.kernel(
        _body,
        mesh=plsc.VectorSubcoreMesh(core_axis_name="c", subcore_axis_name="s"),
        out_type=jax.ShapeDtypeStruct((N_FIELDS, BATCH, EMB_DIM), jnp.float32),
        scratch_types=[
            pltpu.VMEM((N_FIELDS, B_PER_W), jnp.int32),
            pltpu.VMEM((B_PER_W, EMB_DIM), jnp.float32),
            pltpu.VMEM((B_PER_W, EMB_DIM), jnp.float32),
            pltpu.SemaphoreType.DMA,
            pltpu.SemaphoreType.DMA,
        ],
        compiler_params=pltpu.CompilerParams(use_tc_tiling_on_sc=False),
    )
    out = k(xt, W)
    return out.transpose(1, 0, 2)

# --- scband reference (transcript-rebuilt; emitter-appended) ---
"""Pipeline reference for scband-categorical-embedding-layer-18906446037049 (READ-ONLY COPY).

The authoritative reference and input builder live on the scoring server;
editing this copy changes nothing except your own understanding.
"""

import jax, jax.numpy as jnp
import numpy as np

N_FIELDS = 26
VOCAB = 100000
EMB_DIM = 16
BATCH = 16384


def setup_inputs(seed: int = 0) -> dict:
    key = jax.random.key(seed)
    k1, k2 = jax.random.split(key)
    x_cat = jax.random.randint(k1, (BATCH, N_FIELDS), 0, VOCAB)
    # MultiEmbedding holds one nn.Embedding per categorical; represent them as a
    # stacked table W[field, vocab, emb_dim] (all fields share vocab/dim here).
    W = jax.random.normal(k2, (N_FIELDS, VOCAB, EMB_DIM), dtype=jnp.float32) * 0.02
    return {"x_cat": x_cat, "W": W}


def reference(x_cat, W):
    # Per-field embedding lookup; equivalent to MultiEmbedding's dict of
    # per-feature [B, emb_dim] tensors, stacked along the field axis.
    out = jax.vmap(lambda w, idx: jnp.take(w, idx, axis=0), in_axes=(0, 1), out_axes=1)(W, x_cat)
    return out  # [BATCH, N_FIELDS, EMB_DIM]

if __name__ == "__main__":
    import jax
    _d = setup_inputs()
    print(jax.jit(kernel)(*tuple(_d.values())))

</pallas_src>

<mosaic_0001>
#map = affine_map<(d0, d1) -> (0, 0)>
#map1 = affine_map<(d0, d1) -> (0, 0, 0)>
module attributes {stable_mosaic.version = 14 : i64} {
  func.func @_body(%arg0: i32, %arg1: i32, %arg2: memref<26x16384xi32, #tpu.memory_space<hbm>>, %arg3: memref<26x100000x16xf32, #tpu.memory_space<hbm>>, %arg4: memref<26x16384x16xf32, #tpu.memory_space<hbm>>, %arg5: memref<26x512xi32, #tpu.memory_space<vmem>>, %arg6: memref<512x16xf32, #tpu.memory_space<vmem>>, %arg7: memref<512x16xf32, #tpu.memory_space<vmem>>, %arg8: memref<!tpu.dma_semaphore, #tpu.memory_space<semaphore_mem>>, %arg9: memref<!tpu.dma_semaphore, #tpu.memory_space<semaphore_mem>>) attributes {dimension_semantics = [#tpu.dimension_semantics<core_parallel>, #tpu.dimension_semantics<subcore_parallel>], iteration_bounds = array<i64: 2, 16>, scalar_prefetch = 0 : i64, scratch_operands = 5 : i64, tpu.core_type = #tpu.core_type<sc_vector_subcore>, window_params = [{transform_indices = #map}, {transform_indices = #map1}, {transform_indices = #map1}]} {
    %mul3A = arith.constant 2 : i32
    %mul3A_0 = arith.muli %arg1, %mul3A : i32
    %add3A = arith.addi %mul3A_0, %arg0 : i32
    %mul3A_1 = arith.constant 512 : i32
    %mul3A_2 = arith.muli %add3A, %mul3A_1 : i32
    "tpu.region"() ({
      %run_scoped3A = tpu.sem_alloc : memref<!tpu.dma_semaphore, #tpu.memory_space<semaphore_mem>>
      %dma_start3A_19 = arith.constant 0 : i32
      %dma_start3A_20 = tpu.memref_slice %arg2[%dma_start3A_19, %mul3A_2] : memref<26x16384xi32, #tpu.memory_space<hbm>> -> memref<26x512xi32, #tpu.memory_space<hbm>>
      %dma_start3A_21 = arith.constant 0 : i32
      %dma_start3A_22 = tpu.memref_slice %arg2[%dma_start3A_21, %mul3A_2] : memref<26x16384xi32, #tpu.memory_space<hbm>> -> memref<26x512xi32, #tpu.memory_space<hbm>>
      tpu.enqueue_dma source(%dma_start3A_22 : memref<26x512xi32, #tpu.memory_space<hbm>>) target(%arg5 : memref<26x512xi32, #tpu.memory_space<vmem>>) target_semaphore(%run_scoped3A : memref<!tpu.dma_semaphore, #tpu.memory_space<semaphore_mem>>)
      %dma_wait3A = arith.constant 0 : i32
      %dma_wait3A_23 = tpu.memref_slice %arg2[%dma_wait3A, %mul3A_2] : memref<26x16384xi32, #tpu.memory_space<hbm>> -> memref<26x512xi32, #tpu.memory_space<hbm>>
      %dma_wait3A_24 = arith.constant 0 : i32
      %dma_wait3A_25 = tpu.memref_slice %arg2[%dma_wait3A_24, %mul3A_2] : memref<26x16384xi32, #tpu.memory_space<hbm>> -> memref<26x512xi32, #tpu.memory_space<hbm>>
      tpu.wait_dma2 semaphore(%run_scoped3A : memref<!tpu.dma_semaphore, #tpu.memory_space<semaphore_mem>>) src(%dma_wait3A_25 : memref<26x512xi32, #tpu.memory_space<hbm>>) dst(%arg5 : memref<26x512xi32, #tpu.memory_space<vmem>>)
      tpu.yield
    }) : () -> ()
    %dma_start3A = arith.constant 0 : i32
    %dma_start3A_3 = arith.constant 0 : i32
    %dma_start3A_4 = arith.constant 0 : i32
    %dma_start3A_5 = tpu.memref_slice %arg5[%dma_start3A_3, %dma_start3A_4] : memref<26x512xi32, #tpu.memory_space<vmem>> -> memref<1x512xi32, #tpu.memory_space<vmem>>
    %dma_start3A_6 = tpu.memref_squeeze %dma_start3A_5 : memref<1x512xi32, #tpu.memory_space<vmem>> -> memref<512xi32, #tpu.memory_space<vmem>>
    %dma_start3A_7 = arith.constant 0 : i32
    %dma_start3A_8 = arith.constant 0 : i32
    %dma_start3A_9 = tpu.memref_slice %arg3[%dma_start3A, %dma_start3A_7, %dma_start3A_8] : memref<26x100000x16xf32, #tpu.memory_space<hbm>> -> memref<1x100000x16xf32, #tpu.memory_space<hbm>>
    %dma_start3A_10 = tpu.memref_squeeze %dma_start3A_9 : memref<1x100000x16xf32, #tpu.memory_space<hbm>> -> memref<100000x16xf32, #tpu.memory_space<hbm>>
    %dma_start3A_11 = arith.constant 0 : i32
    %dma_start3A_12 = arith.constant 0 : i32
    %dma_start3A_13 = tpu.memref_slice %dma_start3A_10[%dma_start3A_11, %dma_start3A_12] : memref<100000x16xf32, #tpu.memory_space<hbm>> -> memref<100000x16xf32, #tpu.memory_space<hbm>>
    tpu.enqueue_indirect_dma source(%dma_start3A_13 : memref<100000x16xf32, #tpu.memory_space<hbm>>) target(%arg6 : memref<512x16xf32, #tpu.memory_space<vmem>>) offsets(%dma_start3A_6 : memref<512xi32, #tpu.memory_space<vmem>>) semaphore(%arg8 : memref<!tpu.dma_semaphore, #tpu.memory_space<semaphore_mem>>)
    %scan3A = arith.constant 0 : i32
    %scan3A_14 = arith.constant 0 : i32
    %scan3A_15 = arith.constant 13 : i32
    %scan3A_16 = arith.addi %scan3A_14, %scan3A_15 : i32
    %scan3A_17 = arith.constant 1 : i32
    scf.for %scan3A_19 = %scan3A_14 to %scan3A_16 step %scan3A_17  : i32 {
      %mul3A_20 = arith.constant 2 : i32
      %mul3A_21 = arith.muli %mul3A_20, %scan3A_19 : i32
      %add3A_22 = arith.constant 1 : i32
      %add3A_23 = arith.addi %mul3A_21, %add3A_22 : i32
      %dma_start3A_24 = arith.constant 0 : i32
      %dma_start3A_25 = tpu.memref_slice %arg5[%add3A_23, %dma_start3A_24] : memref<26x512xi32, #tpu.memory_space<vmem>> -> memref<1x512xi32, #tpu.memory_space<vmem>>
      %dma_start3A_26 = tpu.memref_squeeze %dma_start3A_25 : memref<1x512xi32, #tpu.memory_space<vmem>> -> memref<512xi32, #tpu.memory_space<vmem>>
      %dma_start3A_27 = arith.constant 0 : i32
      %dma_start3A_28 = arith.constant 0 : i32
      %dma_start3A_29 = tpu.memref_slice %arg3[%add3A_23, %dma_start3A_27, %dma_start3A_28] : memref<26x100000x16xf32, #tpu.memory_space<hbm>> -> memref<1x100000x16xf32, #tpu.memory_space<hbm>>
      %dma_start3A_30 = tpu.memref_squeeze %dma_start3A_29 : memref<1x100000x16xf32, #tpu.memory_space<hbm>> -> memref<100000x16xf32, #tpu.memory_space<hbm>>
      %dma_start3A_31 = arith.constant 0 : i32
      %dma_start3A_32 = arith.constant 0 : i32
      %dma_start3A_33 = tpu.memref_slice %dma_start3A_30[%dma_start3A_31, %dma_start3A_32] : memref<100000x16xf32, #tpu.memory_space<hbm>> -> memref<100000x16xf32, #tpu.memory_space<hbm>>
      tpu.enqueue_indirect_dma source(%dma_start3A_33 : memref<100000x16xf32, #tpu.memory_space<hbm>>) target(%arg7 : memref<512x16xf32, #tpu.memory_space<vmem>>) offsets(%dma_start3A_26 : memref<512xi32, #tpu.memory_space<vmem>>) semaphore(%arg9 : memref<!tpu.dma_semaphore, #tpu.memory_space<semaphore_mem>>)
      %dma_wait3A = arith.constant 0 : i32
      %dma_wait3A_34 = tpu.memref_slice %arg5[%mul3A_21, %dma_wait3A] : memref<26x512xi32, #tpu.memory_space<vmem>> -> memref<1x512xi32, #tpu.memory_space<vmem>>
      %dma_wait3A_35 = tpu.memref_squeeze %dma_wait3A_34 : memref<1x512xi32, #tpu.memory_space<vmem>> -> memref<512xi32, #tpu.memory_space<vmem>>
      %dma_wait3A_36 = arith.constant 0 : i32
      %dma_wait3A_37 = arith.constant 0 : i32
      %dma_wait3A_38 = tpu.memref_slice %arg3[%mul3A_21, %dma_wait3A_36, %dma_wait3A_37] : memref<26x100000x16xf32, #tpu.memory_space<hbm>> -> memref<1x100000x16xf32, #tpu.memory_space<hbm>>
      %dma_wait3A_39 = tpu.memref_squeeze %dma_wait3A_38 : memref<1x100000x16xf32, #tpu.memory_space<hbm>> -> memref<100000x16xf32, #tpu.memory_space<hbm>>
      %dma_wait3A_40 = arith.constant 0 : i32
      %dma_wait3A_41 = arith.constant 0 : i32
      %dma_wait3A_42 = tpu.memref_slice %dma_wait3A_39[%dma_wait3A_40, %dma_wait3A_41] : memref<100000x16xf32, #tpu.memory_space<hbm>> -> memref<100000x16xf32, #tpu.memory_space<hbm>>
      tpu.wait_indirect_dma semaphore(%arg8 : memref<!tpu.dma_semaphore, #tpu.memory_space<semaphore_mem>>) src(%dma_wait3A_42 : memref<100000x16xf32, #tpu.memory_space<hbm>>) dst(%arg6 : memref<512x16xf32, #tpu.memory_space<vmem>>)
      "tpu.region"() ({
        %run_scoped3A = tpu.sem_alloc : memref<!tpu.dma_semaphore, #tpu.memory_space<semaphore_mem>>
        %dma_start3A_59 = arith.constant 0 : i32
        %dma_start3A_60 = tpu.memref_slice %arg4[%mul3A_21, %mul3A_2, %dma_start3A_59] : memref<26x16384x16xf32, #tpu.memory_space<hbm>> -> memref<1x512x16xf32, #tpu.memory_space<hbm>>
        %dma_start3A_61 = tpu.memref_squeeze %dma_start3A_60 : memref<1x512x16xf32, #tpu.memory_space<hbm>> -> memref<512x16xf32, #tpu.memory_space<hbm>>
        %dma_start3A_62 = arith.constant 0 : i32
        %dma_start3A_63 = tpu.memref_slice %arg4[%mul3A_21, %mul3A_2, %dma_start3A_62] : memref<26x16384x16xf32, #tpu.memory_space<hbm>> -> memref<1x512x16xf32, #tpu.memory_space<hbm>>
        %dma_start3A_64 = tpu.memref_squeeze %dma_start3A_63 : memref<1x512x16xf32, #tpu.memory_space<hbm>> -> memref<512x16xf32, #tpu.memory_space<hbm>>
        tpu.enqueue_dma source(%arg6 : memref<512x16xf32, #tpu.memory_space<vmem>>) target(%dma_start3A_64 : memref<512x16xf32, #tpu.memory_space<hbm>>) target_semaphore(%run_scoped3A : memref<!tpu.dma_semaphore, #tpu.memory_space<semaphore_mem>>)
        %dma_wait3A_65 = arith.constant 0 : i32
        %dma_wait3A_66 = tpu.memref_slice %arg4[%mul3A_21, %mul3A_2, %dma_wait3A_65] : memref<26x16384x16xf32, #tpu.memory_space<hbm>> -> memref<1x512x16xf32, #tpu.memory_space<hbm>>
        %dma_wait3A_67 = tpu.memref_squeeze %dma_wait3A_66 : memref<1x512x16xf32, #tpu.memory_space<hbm>> -> memref<512x16xf32, #tpu.memory_space<hbm>>
        %dma_wait3A_68 = arith.constant 0 : i32
        %dma_wait3A_69 = tpu.memref_slice %arg4[%mul3A_21, %mul3A_2, %dma_wait3A_68] : memref<26x16384x16xf32, #tpu.memory_space<hbm>> -> memref<1x512x16xf32, #tpu.memory_space<hbm>>
        %dma_wait3A_70 = tpu.memref_squeeze %dma_wait3A_69 : memref<1x512x16xf32, #tpu.memory_space<hbm>> -> memref<512x16xf32, #tpu.memory_space<hbm>>
        tpu.wait_dma2 semaphore(%run_scoped3A : memref<!tpu.dma_semaphore, #tpu.memory_space<semaphore_mem>>) src(%arg6 : memref<512x16xf32, #tpu.memory_space<vmem>>) dst(%dma_wait3A_70 : memref<512x16xf32, #tpu.memory_space<hbm>>)
        tpu.yield
      }) : () -> ()
      %lt3A = arith.constant 12 : i32
      %lt3A_43 = arith.cmpi slt, %scan3A_19, %lt3A : i32
      %convert_element_type3A = arith.extui %lt3A_43 : i1 to i32
      %cond3A = arith.constant 0 : i32
      %cond3A_44 = arith.cmpi ne, %convert_element_type3A, %cond3A : i32
      scf.if %cond3A_44 {
        %add3A_59 = arith.constant 2 : i32
        %add3A_60 = arith.addi %mul3A_21, %add3A_59 : i32
        %dma_start3A_61 = arith.constant 0 : i32
        %dma_start3A_62 = tpu.memref_slice %arg5[%add3A_60, %dma_start3A_61] : memref<26x512xi32, #tpu.memory_space<vmem>> -> memref<1x512xi32, #tpu.memory_space<vmem>>
        %dma_start3A_63 = tpu.memref_squeeze %dma_start3A_62 : memref<1x512xi32, #tpu.memory_space<vmem>> -> memref<512xi32, #tpu.memory_space<vmem>>
        %dma_start3A_64 = arith.constant 0 : i32
        %dma_start3A_65 = arith.constant 0 : i32
        %dma_start3A_66 = tpu.memref_slice %arg3[%add3A_60, %dma_start3A_64, %dma_start3A_65] : memref<26x100000x16xf32, #tpu.memory_space<hbm>> -> memref<1x100000x16xf32, #tpu.memory_space<hbm>>
        %dma_start3A_67 = tpu.memref_squeeze %dma_start3A_66 : memref<1x100000x16xf32, #tpu.memory_space<hbm>> -> memref<100000x16xf32, #tpu.memory_space<hbm>>
        %dma_start3A_68 = arith.constant 0 : i32
        %dma_start3A_69 = arith.constant 0 : i32
        %dma_start3A_70 = tpu.memref_slice %dma_start3A_67[%dma_start3A_68, %dma_start3A_69] : memref<100000x16xf32, #tpu.memory_space<hbm>> -> memref<100000x16xf32, #tpu.memory_space<hbm>>
        tpu.enqueue_indirect_dma source(%dma_start3A_70 : memref<100000x16xf32, #tpu.memory_space<hbm>>) target(%arg6 : memref<512x16xf32, #tpu.memory_space<vmem>>) offsets(%dma_start3A_63 : memref<512xi32, #tpu.memory_space<vmem>>) semaphore(%arg8 : memref<!tpu.dma_semaphore, #tpu.memory_space<semaphore_mem>>)
      } else {
      }
      %add3A_45 = arith.constant 1 : i32
      %add3A_46 = arith.addi %mul3A_21, %add3A_45 : i32
      %dma_wait3A_47 = arith.constant 0 : i32
      %dma_wait3A_48 = tpu.memref_slice %arg5[%add3A_46, %dma_wait3A_47] : memref<26x512xi32, #tpu.memory_space<vmem>> -> memref<1x512xi32, #tpu.memory_space<vmem>>
      %dma_wait3A_49 = tpu.memref_squeeze %dma_wait3A_48 : memref<1x512xi32, #tpu.memory_space<vmem>> -> memref<512xi32, #tpu.memory_space<vmem>>
      %dma_wait3A_50 = arith.constant 0 : i32
      %dma_wait3A_51 = arith.constant 0 : i32
      %dma_wait3A_52 = tpu.memref_slice %arg3[%add3A_46, %dma_wait3A_50, %dma_wait3A_51] : memref<26x100000x16xf32, #tpu.memory_space<hbm>> -> memref<1x100000x16xf32, #tpu.memory_space<hbm>>
      %dma_wait3A_53 = tpu.memref_squeeze %dma_wait3A_52 : memref<1x100000x16xf32, #tpu.memory_space<hbm>> -> memref<100000x16xf32, #tpu.memory_space<hbm>>
      %dma_wait3A_54 = arith.constant 0 : i32
      %dma_wait3A_55 = arith.constant 0 : i32
      %dma_wait3A_56 = tpu.memref_slice %dma_wait3A_53[%dma_wait3A_54, %dma_wait3A_55] : memref<100000x16xf32, #tpu.memory_space<hbm>> -> memref<100000x16xf32, #tpu.memory_space<hbm>>
      tpu.wait_indirect_dma semaphore(%arg9 : memref<!tpu.dma_semaphore, #tpu.memory_space<semaphore_mem>>) src(%dma_wait3A_56 : memref<100000x16xf32, #tpu.memory_space<hbm>>) dst(%arg7 : memref<512x16xf32, #tpu.memory_space<vmem>>)
      %add3A_57 = arith.constant 1 : i32
      %add3A_58 = arith.addi %mul3A_21, %add3A_57 : i32
      "tpu.region"() ({
        %run_scoped3A = tpu.sem_alloc : memref<!tpu.dma_semaphore, #tpu.memory_space<semaphore_mem>>
        %dma_start3A_59 = arith.constant 0 : i32
        %dma_start3A_60 = tpu.memref_slice %arg4[%add3A_58, %mul3A_2, %dma_start3A_59] : memref<26x16384x16xf32, #tpu.memory_space<hbm>> -> memref<1x512x16xf32, #tpu.memory_space<hbm>>
        %dma_start3A_61 = tpu.memref_squeeze %dma_start3A_60 : memref<1x512x16xf32, #tpu.memory_space<hbm>> -> memref<512x16xf32, #tpu.memory_space<hbm>>
        %dma_start3A_62 = arith.constant 0 : i32
        %dma_start3A_63 = tpu.memref_slice %arg4[%add3A_58, %mul3A_2, %dma_start3A_62] : memref<26x16384x16xf32, #tpu.memory_space<hbm>> -> memref<1x512x16xf32, #tpu.memory_space<hbm>>
        %dma_start3A_64 = tpu.memref_squeeze %dma_start3A_63 : memref<1x512x16xf32, #tpu.memory_space<hbm>> -> memref<512x16xf32, #tpu.memory_space<hbm>>
        tpu.enqueue_dma source(%arg7 : memref<512x16xf32, #tpu.memory_space<vmem>>) target(%dma_start3A_64 : memref<512x16xf32, #tpu.memory_space<hbm>>) target_semaphore(%run_scoped3A : memref<!tpu.dma_semaphore, #tpu.memory_space<semaphore_mem>>)
        %dma_wait3A_65 = arith.constant 0 : i32
        %dma_wait3A_66 = tpu.memref_slice %arg4[%add3A_58, %mul3A_2, %dma_wait3A_65] : memref<26x16384x16xf32, #tpu.memory_space<hbm>> -> memref<1x512x16xf32, #tpu.memory_space<hbm>>
        %dma_wait3A_67 = tpu.memref_squeeze %dma_wait3A_66 : memref<1x512x16xf32, #tpu.memory_space<hbm>> -> memref<512x16xf32, #tpu.memory_space<hbm>>
        %dma_wait3A_68 = arith.constant 0 : i32
        %dma_wait3A_69 = tpu.memref_slice %arg4[%add3A_58, %mul3A_2, %dma_wait3A_68] : memref<26x16384x16xf32, #tpu.memory_space<hbm>> -> memref<1x512x16xf32, #tpu.memory_space<hbm>>
        %dma_wait3A_70 = tpu.memref_squeeze %dma_wait3A_69 : memref<1x512x16xf32, #tpu.memory_space<hbm>> -> memref<512x16xf32, #tpu.memory_space<hbm>>
        tpu.wait_dma2 semaphore(%run_scoped3A : memref<!tpu.dma_semaphore, #tpu.memory_space<semaphore_mem>>) src(%arg7 : memref<512x16xf32, #tpu.memory_space<vmem>>) dst(%dma_wait3A_70 : memref<512x16xf32, #tpu.memory_space<hbm>>)
        tpu.yield
      }) : () -> ()
    }
    %scan3A_18 = arith.constant 13 : i32
    return
  }
}

</mosaic_0001>

<sc_bundles>
// kernel: kernel.3.cloned.1.call-start
scs
__scs_entry_jumppad:
0x0: {  	(pc) =	sbr.rel $0x88, $3  }
0x1: {  	(tag) =	ssettag $0x0;
	lr =	simm.s32 $0x1  }
0x2: {  	[smem:$0x3F9F] =	sst lr;
	_ =	strace $0xD0000000  }
0x3: {  	_ = 	snop  }
0x4: {  	_ = 	snop  }
0x5: {  	_ = 	snop  }
0x6: {  	_ = 	snop  }
0x7: {  	_ = 	snop  }
__scs_overlays_trampoline_lowered:
0x8: {  	[smem:$0x3FAE] =	sst s0  }
0x9: {  	[smem:$0x3FAF] =	sst s1  }
0xa: {  	[smem:$0x3FB0] =	sst s2  }
0xb: {  	[smem:$0x3FB1] =	sst s3  }
0xc: {  	[smem:$0x3FB2] =	sst s4  }
0xd: {  	[smem:$0x3FB3] =	sst s5  }
0xe: {  	[smem:$0x3FB4] =	sst s6  }
0xf: {  	[smem:$0x3FB5] =	sst s7  }
0x10: {  	[smem:$0x3FB6] =	sst s8  }
0x11: {  	[smem:$0x3FB7] =	sst s9;
	s0 =	simm.s32 @!p0 $0x0  }
0x12: {  	s1 =	sld [smem:$0x3F9D];
	s0 =	simm.s32 @p0 $0x1  }
0x13: {  	[smem:$0x3FB8] =	sst s0;
	s0 =	simm.s32 @!p1 $0x0  }
0x14: {  	s2 =	sld [smem:$0x3F9C];
	s0 =	simm.s32 @p1 $0x1  }
0x15: {  	[smem:$0x3FB9] =	sst s0;
	s0 =	simm.s32 @!p2 $0x0  }
0x16: {  	s3 =	sld [smem:$0x3FDB];
	s0 =	simm.s32 @p2 $0x1  }
0x17: {  	s4 =	simm.s32 $0x1BF5;
	[smem:$0x3FBB] =	sst s0  }
0x18: {  	s0 =	sld [smem:$0x3F9E];
	_ =	swait.ge [sflag:s4], $0x0  }
0x19: {  	s7 =	sld [smem:$0x3F9F]  }
0x1a: {  	s8 =	sadd.s32 $0xFFFFE003, lr  }
0x1b: {  	s9 =	sadd.s32 $0xFFFFFEF7, lr;
	s5 =	simm.s32 $0xFFFFFFFF;
	p2 =	slt.u32 s8, $0xFFFFF086  }
0x1c: {  	p1 =	slt.u32 s9, $0xF7A;
	s5 =	simm.s32 @!p2 $0x0  }
0x1d: {  	s5 =	simm.s32 @p1 $0x1;
	p0 =	seq.s32 s7, s2  }
0x1e: {  	s7 =	smul.u32 @!p0 $0xF7A, s2;
	p2 =	seq.s32 @!p0 s5, $0x0  }
0x1f: {  	s9 =	smul.u32 $0xF7A, s1;
	s8 =	simm.s32 @!p0 $0x1BF5;
	p2 =	por !p2, p0  }
0x20: {  	[sflag:s8] =	ssyncset.s32 @!p0 $0xFFFFF086;
	s6 =	sadd.s32 @!p0 s3, s7;
	s7 =	simm.s32 @!p0 $0x108  }
0x21: {  	s3 =	sadd.s32 s3, s9;
	s6 =	sadd.s32 @!p0 $0x88, s6;
	s7 =	simm.s32 @p2 $0x1082  }
0x22: {  	[simem:s7], [sflag:s8] =	dma.local @!p0 [hbm:s6], $0xF7A  }
0x23: {  	s9 =	sor.u32 $0xD0000000, s2;
	s6 =	simm.s32 $0x108;
	_ =	swait.ge @!p0 [sflag:s8], $0x0  }
0x24: {  	s3 =	sadd.s32 $0x88, s3;
	s6 =	simm.s32 @!p1 $0x1082;
	[sflag:s4] =	ssyncset.s32 $0xFFFFF086  }
0x25: {  	[simem:s6], [sflag:s4] =	dma.local [hbm:s3], $0xF7A  }
0x26: {  	[smem:$0x3F9F] =	sst s1;
	(tag) =	ssettag s2;
	_ =	strace s9  }
0x27: {  	s1 =	sld [smem:$0x3FAF]  }
0x28: {  	s2 =	sld [smem:$0x3FB0]  }
0x29: {  	s4 =	sld [smem:$0x3FB2]  }
0x2a: {  	p0 =	seq.s32 s5, $0x0;
	s5 =	sld [smem:$0x3FB3]  }
0x2b: {  	s6 =	sld [smem:$0x3FB4]  }
0x2c: {  	s7 =	sld [smem:$0x3FB5]  }
0x2d: {  	s3 =	simm.s32 $0x108;
	s8 =	sld [smem:$0x3FB6]  }
0x2e: {  	s3 =	simm.s32 @!p0 $0x1082;
	s9 =	sld [smem:$0x3FB7]  }
0x2f: {  	lr =	sadd.s32 s0, s3;
	s0 =	sld [smem:$0x3FAE]  }
0x30: {  	s3 =	sld [smem:$0x3FB1]  }
0x31: {  	[smem:$0x3FBA] =	sst s10  }
0x32: {  	s10 =	sld [smem:$0x3FB8];
	_ =	sdelay $0x3  }
0x33: {  	p0 =	seq.s32 s10, $0x1;
	s10 =	sld [smem:$0x3FBA];
	_ =	sdelay $0x3  }
0x34: {  	[smem:$0x3FBA] =	sst s10  }
0x35: {  	s10 =	sld [smem:$0x3FB9];
	_ =	sdelay $0x3  }
0x36: {  	p1 =	seq.s32 s10, $0x1;
	s10 =	sld [smem:$0x3FBA];
	_ =	sdelay $0x3  }
0x37: {  	[smem:$0x3FBA] =	sst s10  }
0x38: {  	s10 =	sld [smem:$0x3FBB]  }
0x39: {  	_ = 	snop;
	(pc) =	sbr.ind lr, $3  }
0x3a: {  	_ = 	snop  }
0x3b: {  	_ = 	snop  }
0x3c: {  	p2 =	seq.s32 s10, $0x1;
	s10 =	sld [smem:$0x3FBA]  }
0x3d: {  	_ =	shalt  }
0x3e: {  	_ =	shalt  }
0x3f: {  	_ =	shalt  }
0x40: {  	_ =	shalt  }
0x41: {  	_ =	shalt  }
0x42: {  	_ =	shalt  }
0x43: {  	_ =	shalt  }
0x44: {  	_ =	shalt  }
0x45: {  	_ =	shalt  }
0x46: {  	_ =	shalt  }
0x47: {  	_ =	shalt  }
0x48: {  	_ =	shalt  }
0x49: {  	_ =	shalt  }
0x4a: {  	_ =	shalt  }
0x4b: {  	_ =	shalt  }
0x4c: {  	_ =	shalt  }
0x4d: {  	_ =	shalt  }
0x4e: {  	_ =	shalt  }
0x4f: {  	_ =	shalt  }
0x50: {  	_ =	shalt  }
0x51: {  	_ =	shalt  }
0x52: {  	_ =	shalt  }
0x53: {  	_ =	shalt  }
0x54: {  	_ =	shalt  }
0x55: {  	_ =	shalt  }
0x56: {  	_ =	shalt  }
0x57: {  	_ =	shalt  }
0x58: {  	_ =	shalt  }
0x59: {  	_ =	shalt  }
0x5a: {  	_ =	shalt  }
0x5b: {  	_ =	shalt  }
0x5c: {  	_ =	shalt  }
0x5d: {  	_ =	shalt  }
0x5e: {  	_ =	shalt  }
0x5f: {  	_ =	shalt  }
0x60: {  	_ =	shalt  }
0x61: {  	_ =	shalt  }
0x62: {  	_ =	shalt  }
0x63: {  	_ =	shalt  }
0x64: {  	_ =	shalt  }
0x65: {  	_ =	shalt  }
0x66: {  	_ =	shalt  }
0x67: {  	_ =	shalt  }
0x68: {  	_ =	shalt  }
0x69: {  	_ =	shalt  }
0x6a: {  	_ =	shalt  }
0x6b: {  	_ =	shalt  }
0x6c: {  	_ =	shalt  }
0x6d: {  	_ =	shalt  }
0x6e: {  	_ =	shalt  }
0x6f: {  	_ =	shalt  }
0x70: {  	_ =	shalt  }
0x71: {  	_ =	shalt  }
0x72: {  	_ =	shalt  }
0x73: {  	_ =	shalt  }
0x74: {  	_ =	shalt  }
0x75: {  	_ =	shalt  }
0x76: {  	_ =	shalt  }
0x77: {  	_ =	shalt  }
0x78: {  	_ =	shalt  }
0x79: {  	_ =	shalt  }
0x7a: {  	_ =	shalt  }
0x7b: {  	_ =	shalt  }
0x7c: {  	_ =	shalt  }
0x7d: {  	_ =	shalt  }
0x7e: {  	_ =	shalt  }
0x7f: {  	_ =	shalt  }
0x80: {  	_ =	shalt  }
0x81: {  	_ =	shalt  }
0x82: {  	_ =	shalt  }
0x83: {  	_ =	shalt  }
0x84: {  	_ =	shalt  }
0x85: {  	_ =	shalt  }
0x86: {  	_ =	shalt  }
0x87: {  	_ =	shalt  }
.Lfunc_end0:
.L_simem_size_0:
called_computation_lowered:
.L_overlay_start_0:
0x88: {  	s2 =	sld [smem:$0x3FD9]  }
0x89: {  	s3 =	sld [smem:$0x3FFE];
	_ =	sdelay $0x1  }
0x8a: {  	s1 =	srdreg.scid  }
0x8b: {  	s0 =	sand.u32 $0x1, s1  }
0x8c: {  	s17 =	sshll.u32 s0, $0xA;
	s2 =	sadd.s32 s3, s2  }
0x8d: {  	s2 =	sadd.s32 s2, s17  }
0x8e: {  	[smem:$0x3FC6] =	sst s2  }
0x8f: {  	_ = 	snop  }
0x90: {  	s2 =	sld [smem:$0x3FD0];
	(tm) =	ssettm $0x1  }
0x91: {  	s18 =	sld [smem:$0x3FFB];
	_ =	sdelay $0x3  }
0x92: {  	_ =	strace s18  }
0x93: {  	s3 =	sld [smem:$0x3FFC];
	_ =	sdelay $0x3  }
0x94: {  	_ =	strace s3  }
0x95: {  	s3 =	sld [smem:$0x3FFD];
	_ =	sdelay $0x3  }
0x96: {  	_ =	strace s3  }
0x97: {  	_ =	strace $0x8FFFFFFF  }
0x98: {  	s19 =	sld [smem:$0x3FDB];
	_ =	sdelay $0x1  }
0x99: {  	s4 =	simm.s32 $_scs_section_size  }
0x9a: {  	s5 =	simm.s32 $_size__tile_overlayer_lowered;
	s6 =	simm.s32 $_tile_overlayer_lowered  }
0x9b: {  	s22 =	simm.s32 $0x1BFF;
	s21 =	sshll.u32 s6, $0x1;
	s3 =	sadd.s32 s4, s19  }
0x9c: {  	s7 =	simm.s32 $0x0;
	s20 =	sshll.u32 s5, $0x1;
	s5 =	sadd.s32 s21, s3  }
0x9d: {  	[timem:s7], [sflag:s22] =	dma.local [hbm:s5], s20  }
0x9e: {  	_ =	swait.ge [sflag:s22], s20  }
0x9f: {  	s4 =	ssub.s32 $0x0, s20;
	[sflag:s22] =	ssyncset.done $0x0  }
0xa0: {  	[sflag:s22] =	ssyncadd.s32 s4;
	_ =	sdelay $0x1  }
0xa1: {  	s23 =	simm.s32 $0x1B8B  }
0xa2: {  	_ =	swait.ge [sflag:s23], $0x1  }
0xa3: {  	[sflag:s23] =	ssyncset.done $0x0  }
0xa4: {  	s25 =	simm.s32 $0x1B8E;
	s24 =	sld [smem:$0x3FFE];
	[sflag:s23] =	ssyncadd.s32 $0xFFFFFFFF  }
0xa5: {  	s26 =	simm.s32 $execute0_lowered;
	[smem:$0x3FD2] =	sst s25  }
0xa6: {  	s5 =	sshll.u32 s26, $0x1;
	_ =	strace $0x80000046;
	[dreg:$0x1] =	wrdreg $0xFFFFFFFF  }
0xa7: {  	s28 =	simm.s32 $_size_execute0_lowered;
	s3 =	sadd.s32 s3, s5;
	[dreg:$0x0] =	wrdreg $0x0  }
0xa8: {  	s5 =	sshll.u32 s28, $0x1;
	[dreg:$0x2] =	wrdreg s3  }
0xa9: {  	[dreg:$0x3] =	wrdreg s5  }
0xaa: {  	[dreg:$0x4] =	wrdreg $0xC0  }
0xab: {  	_ =	task [dreg:s7], $0x5FFFF  }
0xac: {  	[dreg:$0x1] =	wrdreg $0xFFFFFFFF  }
0xad: {  	[dreg:$0x0] =	wrdreg $0x60  }
0xae: {  	[dreg:$0x2] =	wrdreg s24  }
0xaf: {  	[dreg:$0x3] =	wrdreg s2  }
0xb0: {  	[dreg:$0x4] =	wrdreg $0x9  }
0xb1: {  	_ =	task.clear_ibuf [dreg:s7], $0x5FFFF;
	_ =	strace $0x90000046  }
0xb2: {  	s29 =	simm.s32 $0x9;
	_ =	strace $0x80000048  }
0xb3: {  	_ =	swait.ge [sflag:s29], $0x1  }
0xb4: {  	[sflag:s29] =	ssyncadd.s32 $0xFFFFFFFF  }
0xb5: {  	_ =	strace $0x90000048  }
0xb6: {  	_ =	sfence  }
0xb7: {  	s30 =	sld [smem:$0x0];
	_ =	sdelay $0x2  }
0xb8: {  	s31 =	sshll.u32 s1, $0xD;
	s1 =	sshrl.u32 s1, $0x2  }
0xb9: {  	s3 =	sand.u32 $0x4000, s31;
	s1 =	sadd.s32 s1, s30  }
0xba: {  	s0 =	sor.u32 s3, s0;
	s1 =	sshll.u32 s1, $0x11  }
0xbb: {  	s0 =	sor.u32 s1, s0  }
0xbc: {  	s0 =	sadd.s32 $0x8F2B, s0  }
0xbd: {  	[sflag:s0] =	ssyncadd.remote.s32 $0x1  }
0xbe: {  	_ =	sfence.sel $0xFFFF  }
0xbf: {  	[dreg:$0x0] =	wrdreg $0xFFFFFFFF;
	(pc) =	sbr.abs _section_cstart, $3  }
0xc0: {  	[dreg:$0x1] =	wrdreg $0xFFFFFFFF  }
0xc1: {  	_ =	task.clear_ibuf [dreg:s7], $0x2FFFF;
	_ =	strace $0x9FFFFFFF  }
0xc2: {  	(tm) =	ssettm $0x7FFFFFFF  }
0xc3: {  	_ =	shalt  }
tec
execute0_lowered:
.L_overlay_start_1:
0x0: {  	(tag) =	ssettag $0x1  }
0x1: {  	s1 =	srdreg.scid;
	s10 =	rddreg [dreg:$0x0]  }
0x2: {  	s0 =	stileid.u32;
	s11 =	rddreg [dreg:$0x1]  }
0x3: {  	s2 =	simm.s32 $0x0;
	s13 =	simm.s32 $0x3;
	s14 =	simm.s32 $0x3400  }
0x4: {  	s15 =	simm.s32 $0x200;
	s16 =	simm.s32 $0x5400;
	s17 =	simm.s32 $0x1  }
0x5: {  	s18 =	simm.s32 $0x2;
	s19 =	simm.s32 $0x3200;
	s20 =	simm.s32 $0x0  }
0x6: {  	s5 =	sand.u32 $0x1, s1;
	s3 =	sshll.u32 s0, $0xA;
	s1 =	rddreg [dreg:$0x2]  }
0x7: {  	[smem:$0x7FF] =	sst s2;
	s30 =	sshll.u32 s0, $0xE;
	s4 =	sshll.u32 s5, $0x9  }
0x8: {  	s29 =	ssub.s32 $0x2, s5;
	_ =	strace $0x80000047;
	s9 =	sshll.u32 s5, $0xD  }
0x9: {  	s6 =	sor.u32 s4, s3;
	s8 =	sshrl.u32 s29, $0x1;
	s9 =	sor.u32 s9, s30  }
0xa: {  	s3 =	sshrl.u32 s6, $0x3;
	s8 =	ssub.s32 s29, s8;
	s6 =	sshll.u32 s6, $0x1  }
0xb: {  	s12 =	sor.u32 $0x40000, s9;
	s9 =	sshrl.u32 s9, $0x3;
	s7 =	sadd.s32 s3, s10  }
0xc: {  	s3 =	sadd.s32 $0x27ACA00, s10;
	s5 =	smax.u32 s8, $0x1;
	s31 =	sadd.s32 s6, s11  }
0xd: {  	s6 =	sadd.s32 $0x2C71540, s10;
	s12 =	sshrl.u32 s12, $0x3;
	s9 =	sadd.s32 s9, s11  }
0xe: {  	s10 =	sadd.s32 $0x27DD740, s10;
	s4 =	sadd.s32 $0x600, s7;
	s7 =	sadd.s32 $0xC0000, s31  }
0xf: {  	s8 =	sadd.s32 $0xC8000, s31;
	s11 =	sadd.s32 s12, s11;
	s12 =	simm.s32 $0x4000  }
.LBB2_1:
0x10: {  	[tilespmem:s2], [sflag:$0x3] =	stream.strided.gather [hbm4b:s4+s15], $0x3400, s12, s15, $0x38;
	[tilespmem:$0x7400] =	vst v63  }
0x11: {  	_ =	swait.ge [sflag:s13], $0x3400  }
0x12: {  	[sflag:s13] =	ssyncset.done $0x0  }
0x13: {  	[sflag:s13] =	ssyncadd.s32 $0xFFFFCC00  }
0x14: {  	[tilespmem:s14], [sflag:$0x1] =	stream.indirect.gather [hbm4b:s3+s15], $0x10, s2, s15, $0xb8;
	[tilespmem:$0x7400] =	vst v63  }
0x15: {  	_ = 	snop  }
0x16: {  	[tilespmem:s16], [sflag:$0x2] =	stream.indirect.gather [hbm4b:s10+s15], $0x10, s15, s15, $0xb8;
	[tilespmem:$0x7400] =	vst v63  }
0x17: {  	_ =	swait.ge [sflag:s17], $0x2000  }
0x18: {  	[sflag:s17] =	ssyncset.done $0x0  }
0x19: {  	s21 =	sadd.s32 $0x0, s9;
	[sflag:s17] =	ssyncadd.s32 $0xFFFFE000  }
0x1a: {  	[hbm4b:s21+s2] =	stream.linear.scatter [tilespmem:s14], [sflag:$0x3], $0x2000, $0x38;
	[tilespmem:$0x7400] =	vst v63  }
0x1b: {  	_ =	swait.ge [sflag:s13], $0x2000  }
0x1c: {  	[sflag:s13] =	ssyncset.done $0x0  }
0x1d: {  	s30 =	simm.s32 $0x400;
	s22 =	sadd.s32 $0x30D40, s10;
	[sflag:s13] =	ssyncadd.s32 $0xFFFFE000  }
0x1e: {  	[tilespmem:s14], [sflag:$0x1] =	stream.indirect.gather [hbm4b:s22+s15], $0x10, s30, s15, $0xb8;
	[tilespmem:$0x7400] =	vst v63  }
0x1f: {  	_ =	swait.ge [sflag:s18], $0x2000  }
0x20: {  	[sflag:s18] =	ssyncset.done $0x0  }
0x21: {  	s31 =	sadd.s32 $0x0, s11;
	[sflag:s18] =	ssyncadd.s32 $0xFFFFE000  }
0x22: {  	[hbm4b:s31+s2] =	stream.linear.scatter [tilespmem:s16], [sflag:$0x3], $0x2000, $0x38;
	[tilespmem:$0x7400] =	vst v63  }
0x23: {  	s23 =	simm.s32 $0x200;
	_ =	swait.ge [sflag:s13], $0x2000  }
0x24: {  	s21 =	simm.s32 $0x10000;
	s22 =	smov.u32 s10;
	[sflag:s13] =	ssyncset.done $0x0  }
.LBB2_2:
0x25: {  	[sflag:s13] =	ssyncadd.s32 $0xFFFFE000  }
0x26: {  	s22 =	sadd.s32 $0x61A80, s22;
	s23 =	sadd.s32 $0x400, s23;
	s24 =	smov.u32 s21  }
0x27: {  	[tilespmem:s16], [sflag:$0x2] =	stream.indirect.gather [hbm4b:s22+s15], $0x10, s23, s15, $0xb8;
	[tilespmem:$0x7400] =	vst v63  }
0x28: {  	p0 =	sne.s32 s21, $0xB0000;
	s21 =	sadd.s32 $0x10000, s21;
	_ =	swait.ge [sflag:s17], $0x2000  }
0x29: {  	[sflag:s17] =	ssyncset.done $0x0  }
0x2a: {  	s25 =	sadd.s32 s24, s9;
	[sflag:s17] =	ssyncadd.s32 $0xFFFFE000  }
0x2b: {  	[hbm4b:s25+s2] =	stream.linear.scatter [tilespmem:s14], [sflag:$0x3], $0x2000, $0x38;
	[tilespmem:$0x7400] =	vst v63  }
0x2c: {  	_ =	swait.ge [sflag:s13], $0x2000  }
0x2d: {  	[sflag:s13] =	ssyncset.done $0x0  }
0x2e: {  	s26 =	sadd.s32 $0x30D40, s22;
	s25 =	sadd.s32 $0x200, s23;
	[sflag:s13] =	ssyncadd.s32 $0xFFFFE000  }
0x2f: {  	[tilespmem:s14], [sflag:$0x1] =	stream.indirect.gather [hbm4b:s26+s15], $0x10, s25, s15, $0xb8;
	[tilespmem:$0x7400] =	vst v63  }
0x30: {  	_ =	swait.ge [sflag:s18], $0x2000  }
.Ltmp0:
0x31: {  	[sflag:s18] =	ssyncset.done $0x0;
	(pc) =	sbr.rel @p0 .LBB2_2-.Ltmp0, $4  }
0x32: {  	s24 =	sadd.s32 s24, s11;
	[sflag:s18] =	ssyncadd.s32 $0xFFFFE000  }
0x33: {  	[hbm4b:s24+s2] =	stream.linear.scatter [tilespmem:s16], [sflag:$0x3], $0x2000, $0x38;
	[tilespmem:$0x7400] =	vst v63  }
0x34: {  	_ =	swait.ge [sflag:s13], $0x2000  }
0x35: {  	[sflag:s13] =	ssyncset.done $0x0  }
0x36: {  	[sflag:s13] =	ssyncadd.s32 $0xFFFFE000  }
0x37: {  	[tilespmem:s16], [sflag:$0x2] =	stream.indirect.gather [hbm4b:s6+s15], $0x10, s19, s15, $0xb8;
	[tilespmem:$0x7400] =	vst v63  }
0x38: {  	_ =	swait.ge [sflag:s17], $0x2000  }
0x39: {  	[sflag:s17] =	ssyncset.done $0x0  }
0x3a: {  	[sflag:s17] =	ssyncadd.s32 $0xFFFFE000  }
0x3b: {  	[hbm4b:s7+s2] =	stream.linear.scatter [tilespmem:s14], [sflag:$0x3], $0x2000, $0x38;
	[tilespmem:$0x7400] =	vst v63  }
0x3c: {  	_ =	swait.ge [sflag:s13], $0x2000  }
0x3d: {  	[sflag:s13] =	ssyncset.done $0x0  }
0x3e: {  	[sflag:s13] =	ssyncadd.s32 $0xFFFFE000  }
0x3f: {  	s20 =	sadd.s32 $0x1, s20;
	_ =	swait.ge [sflag:s18], $0x2000  }
0x40: {  	p0 =	sne.s32 s20, s5;
	[sflag:s18] =	ssyncset.done $0x0  }
.Ltmp1:
0x41: {  	[sflag:s18] =	ssyncadd.s32 $0xFFFFE000;
	(pc) =	sbr.rel @p0 .LBB2_1-.Ltmp1, $4  }
0x42: {  	[hbm4b:s8+s2] =	stream.linear.scatter [tilespmem:s16], [sflag:$0x3], $0x2000, $0x38;
	[tilespmem:$0x7400] =	vst v63  }
0x43: {  	_ =	swait.ge [sflag:s13], $0x2000  }
0x44: {  	[sflag:s13] =	ssyncset.done $0x0  }
0x45: {  	[sflag:s13] =	ssyncadd.s32 $0xFFFFE000  }
0x46: {  	_ =	sfence.sel $0x180000  }
0x47: {  	[bflag:$0x0] =	sbarrier.arrive $0xFFFF  }
0x48: {  	p0 =	sne.s32 s0, $0x0;
	_ =	strace $0x90000047  }
0x49: {  	s0 =	sadd.s32 @!p0 $0x100000, s1;
	[bflag:$0x2] =	sbarrier.arrive $0xFFFF  }
0x4a: {  	[sflag:s0] =	ssyncadd.tile.s32 @!p0 $0x1;
	_ =	shalt  }
.Lfunc_end2:
_tile_overlayer_lowered:
.L_overlay_start_2:
0x4b: {  	(tag) =	ssettag $0x2  }
0x4c: {  	s0 =	rddreg [dreg:$0x0];
	s2 =	stileid.u32  }
0x4d: {  	s1 =	rddreg [dreg:$0x1];
	p0 =	sne.s32 s2, $0x0  }
0x4e: {  	s3 =	rddreg [dreg:$0x2];
	[bflag:$0x3] =	sbarrier.arrive $0xFFFF;
	s2 =	simm.s32 @!p0 $0x1C03  }
0x4f: {  	[timem:s3], [sflag:s2] =	dma.local @!p0 [hbm:s0], s1  }
0x50: {  	s0 =	simm.s32 @!p0 $0x3  }
0x51: {  	_ =	swait.ge @!p0 [sflag:s0], s1  }
0x52: {  	s1 =	ssub.s32 @!p0 $0x0, s1;
	[sflag:s0] =	ssyncset.done @!p0 $0x0  }
0x53: {  	[sflag:s0] =	ssyncadd.s32 @!p0 s1  }
0x54: {  	[bflag:$0x3] =	sbarrier.arrive $0xFFFF  }
0x55: {  	_ =	shalt  }

</sc_bundles>
